<compile_context>
chip_gen: v7x
topology: tpu7x:2x2x1
jax: 0.10.2.dev20260603
libtpu: 0.0.44.dev20260713+nightly
codegen_flags: <defaults>
</compile_context>

<pallas_src>
import functools

import jax
import jax.numpy as jnp
from jax import lax
from jax.experimental import pallas as pl
from jax.experimental.pallas import tpu as pltpu
from jax.experimental.pallas import tpu_sc as plsc

_EPS = 1e-12
_NC, _NS = 2, 16
_NW = _NC * _NS
_IDX_CHUNK = 128
_TN = 2048


def _sc_gather(word_emb, ids2d):
    d = word_emb.shape[1]
    n_tok = ids2d.shape[0] * ids2d.shape[1]
    s = ids2d.shape[1]
    per_w = n_tok // _NW
    n_sub = (per_w + _IDX_CHUNK - 1) // _IDX_CHUNK
    mesh = plsc.VectorSubcoreMesh(core_axis_name="c", subcore_axis_name="s")

    @functools.partial(
        pl.kernel,
        mesh=mesh,
        out_type=jax.ShapeDtypeStruct((n_tok, d), word_emb.dtype),
        scratch_types=[
            pltpu.VMEM((per_w,), jnp.int32),
            pltpu.VMEM((per_w, d), word_emb.dtype),
            pltpu.SemaphoreType.DMA,
            pltpu.SemaphoreType.DMA,
        ],
    )
    def gather_kernel(table_hbm, idx_hbm, out_hbm, idx_v, rows_v, gsem, wsem):
        wid = lax.axis_index("s") * _NC + lax.axis_index("c")
        w_base = wid * per_w
        pltpu.sync_copy(idx_hbm.at[w_base // s, pl.ds(w_base % s, per_w)], idx_v)
        copies = []
        for j in range(n_sub):
            lo = j * _IDX_CHUNK
            sz = min(_IDX_CHUNK, per_w - lo)
            copies.append(
                pltpu.async_copy(
                    table_hbm.at[idx_v.at[pl.ds(lo, sz)]],
                    rows_v.at[pl.ds(lo, sz)],
                    gsem,
                )
            )
        writes = []
        for j, c in enumerate(copies):
            c.wait()
            lo = j * _IDX_CHUNK
            sz = min(_IDX_CHUNK, per_w - lo)
            writes.append(
                pltpu.async_copy(
                    rows_v.at[pl.ds(lo, sz)],
                    out_hbm.at[pl.ds(wid * per_w + lo, sz)],
                    wsem,
                )
            )
        for w in writes:
            w.wait()

    return gather_kernel(word_emb, ids2d)


def _dense_body(g_ref, pos_ref, type_ref, gam_ref, bet_ref, w_ref, b_ref, o_ref):
    x = g_ref[...] + pos_ref[...] + type_ref[0:1, :]
    mu = jnp.mean(x, axis=1, keepdims=True)
    xc = x - mu
    var = jnp.mean(xc * xc, axis=1, keepdims=True)
    nrm = xc * lax.rsqrt(var + _EPS) * gam_ref[...] + bet_ref[...]
    o_ref[...] = (
        jnp.dot(nrm, w_ref[...], preferred_element_type=jnp.float32) + b_ref[...]
    )


def _tc_dense(gathered, pos_emb, type_emb, ln_gamma, ln_beta, w_map, b_map,
              seq_len):
    n, d = gathered.shape
    h = w_map.shape[1]
    blocks_per_seq = seq_len // _TN
    n_batch = n // seq_len
    grid = (blocks_per_seq, n_batch)
    in_specs = [
        pl.BlockSpec((_TN, d), lambda p, b: (b * blocks_per_seq + p, 0)),
        pl.BlockSpec((_TN, d), lambda p, b: (p, 0)),
        pl.BlockSpec(type_emb.shape, lambda p, b: (0, 0)),
        pl.BlockSpec((1, d), lambda p, b: (0, 0)),
        pl.BlockSpec((1, d), lambda p, b: (0, 0)),
        pl.BlockSpec((d, h), lambda p, b: (0, 0)),
        pl.BlockSpec((1, h), lambda p, b: (0, 0)),
    ]
    args = [
        gathered,
        pos_emb,
        type_emb,
        ln_gamma.reshape(1, d),
        ln_beta.reshape(1, d),
        w_map,
        b_map.reshape(1, h),
    ]
    return pl.pallas_call(
        _dense_body,
        grid=grid,
        in_specs=in_specs,
        out_specs=pl.BlockSpec(
            (_TN, h), lambda p, b: (b * blocks_per_seq + p, 0)
        ),
        out_shape=jax.ShapeDtypeStruct((n, h), jnp.float32),
        compiler_params=pltpu.CompilerParams(
            dimension_semantics=("parallel", "parallel"),
        ),
    )(*args)


def kernel(input_ids, word_emb, type_emb, pos_emb, ln_gamma, ln_beta, W_map, b_map):
    b, s = input_ids.shape
    n = b * s
    h = W_map.shape[1]
    ids = input_ids.astype(jnp.int32)
    if s % (n // _NW):
        ids = ids.reshape(1, n)
    g = _sc_gather(word_emb, ids)
    out = _tc_dense(g, pos_emb, type_emb, ln_gamma, ln_beta, W_map, b_map, s)
    return out.reshape(b, s, h)

# --- scband reference (transcript-rebuilt; emitter-appended) ---
"""Pipeline reference for scband-lean-gptembeddings-6244882448524 (READ-ONLY COPY).

The authoritative reference and input builder live on the scoring server;
editing this copy changes nothing except your own understanding.
"""

import jax, jax.numpy as jnp
import numpy as np

VOCAB = 100000
EMB = 128
HID = 1024
MAXPOS = 8192
TYPES = 2
B, S = 4, 2048
EPS = 1e-12


def setup_inputs(seed: int = 0) -> dict:
    key = jax.random.key(seed)
    ks = jax.random.split(key, 8)
    input_ids = jax.random.randint(ks[0], (B, S), 0, VOCAB)
    word_emb = jax.random.normal(ks[1], (VOCAB, EMB), dtype=jnp.float32) * 0.02
    word_emb = word_emb.at[0].set(0.0)  # padding_idx=0
    type_emb = jax.random.normal(ks[2], (TYPES, EMB), dtype=jnp.float32) * 0.02
    pos_emb = jax.random.normal(ks[3], (MAXPOS, EMB), dtype=jnp.float32) * 0.02
    ln_gamma = jnp.ones((EMB,), dtype=jnp.float32)
    ln_beta = jnp.zeros((EMB,), dtype=jnp.float32)
    W_map = jax.random.normal(ks[4], (EMB, HID), dtype=jnp.float32) * (1.0 / np.sqrt(EMB))
    b_map = jnp.zeros((HID,), dtype=jnp.float32)
    return {
        "input_ids": input_ids,
        "word_emb": word_emb,
        "type_emb": type_emb,
        "pos_emb": pos_emb,
        "ln_gamma": ln_gamma,
        "ln_beta": ln_beta,
        "W_map": W_map,
        "b_map": b_map,
    }


def reference(input_ids, word_emb, type_emb, pos_emb, ln_gamma, ln_beta, W_map, b_map):
    b, s = input_ids.shape
    # word embedding lookup (gather)
    inputs_embeds = jnp.take(word_emb, input_ids, axis=0)
    # token_type_ids defaults to zeros
    token_type_ids = jnp.zeros((b, s), dtype=jnp.int32)
    token_type_embeddings = jnp.take(type_emb, token_type_ids, axis=0)
    embeddings = inputs_embeds + token_type_embeddings
    # absolute position embeddings, past_key_values_length=0
    position_ids = jnp.arange(s, dtype=jnp.int32)
    position_embeddings = jnp.take(pos_emb, position_ids, axis=0)
    embeddings = embeddings + position_embeddings[None, :, :]
    # LayerNorm
    mu = jnp.mean(embeddings, axis=-1, keepdims=True)
    var = jnp.mean((embeddings - mu) ** 2, axis=-1, keepdims=True)
    normed = (embeddings - mu) / jnp.sqrt(var + EPS) * ln_gamma + ln_beta
    # dropout is identity in eval / p=0
    # embedding_size != hidden_size -> linear mapping
    out = jnp.dot(normed, W_map) + b_map
    return out

if __name__ == "__main__":
    import jax
    _d = setup_inputs()
    print(jax.jit(kernel)(*tuple(_d.values())))

</pallas_src>

<mosaic_0001>
#map = affine_map<(d0, d1) -> (0, 0)>
module attributes {stable_mosaic.version = 14 : i64} {
  func.func @gather_kernel(%arg0: i32, %arg1: i32, %arg2: memref<100000x128xf32, #tpu.memory_space<hbm>>, %arg3: memref<4x2048xi32, #tpu.memory_space<hbm>>, %arg4: memref<8192x128xf32, #tpu.memory_space<hbm>>, %arg5: memref<256xi32, #tpu.memory_space<vmem>>, %arg6: memref<256x128xf32, #tpu.memory_space<vmem>>, %arg7: memref<!tpu.dma_semaphore, #tpu.memory_space<semaphore_mem>>, %arg8: memref<!tpu.dma_semaphore, #tpu.memory_space<semaphore_mem>>) attributes {dimension_semantics = [#tpu.dimension_semantics<core_parallel>, #tpu.dimension_semantics<subcore_parallel>], iteration_bounds = array<i64: 2, 16>, scalar_prefetch = 0 : i64, scratch_operands = 4 : i64, tpu.core_type = #tpu.core_type<sc_vector_subcore>, window_params = [{transform_indices = #map}, {transform_indices = #map}, {transform_indices = #map}]} {
    %mul3A = arith.constant 2 : i32
    %mul3A_0 = arith.muli %arg1, %mul3A : i32
    %add3A = arith.addi %mul3A_0, %arg0 : i32
    %mul3A_1 = arith.constant 256 : i32
    %mul3A_2 = arith.muli %add3A, %mul3A_1 : i32
    %jit3A = arith.constant 2048 : i32
    %div3A = arith.divsi %mul3A_2, %jit3A : i32
    %sign3A = arith.constant 0 : i32
    %sign3A_3 = arith.cmpi sgt, %mul3A_2, %sign3A : i32
    %sign3A_4 = arith.extui %sign3A_3 : i1 to i32
    %sign3A_5 = arith.constant 0 : i32
    %sign3A_6 = arith.cmpi slt, %mul3A_2, %sign3A_5 : i32
    %sign3A_7 = arith.extui %sign3A_6 : i1 to i32
    %sign3A_8 = arith.subi %sign3A_4, %sign3A_7 : i32
    %sign3A_9 = arith.constant 0 : i32
    %sign3A_10 = arith.cmpi sgt, %jit3A, %sign3A_9 : i32
    %sign3A_11 = arith.extui %sign3A_10 : i1 to i32
    %sign3A_12 = arith.constant 0 : i32
    %sign3A_13 = arith.cmpi slt, %jit3A, %sign3A_12 : i32
    %sign3A_14 = arith.extui %sign3A_13 : i1 to i32
    %sign3A_15 = arith.subi %sign3A_11, %sign3A_14 : i32
    %ne3A = arith.cmpi ne, %sign3A_8, %sign3A_15 : i32
    %rem3A = arith.remsi %mul3A_2, %jit3A : i32
    %ne3A_16 = arith.constant 0 : i32
    %ne3A_17 = arith.cmpi ne, %rem3A, %ne3A_16 : i32
    %and3A = arith.andi %ne3A, %ne3A_17 : i1
    %sub3A = arith.constant 1 : i32
    %sub3A_18 = arith.subi %div3A, %sub3A : i32
    %select_n3A = arith.select %and3A, %sub3A_18, %div3A : i32
    %jit3A_19 = arith.constant 2048 : i32
    %eq3A = arith.constant 0 : i32
    %eq3A_20 = arith.cmpi eq, %jit3A_19, %eq3A : i32
    %jit3A_21 = arith.constant 1 : i32
    %select_n3A_22 = arith.select %eq3A_20, %jit3A_21, %jit3A_19 : i32
    %rem3A_23 = arith.remsi %mul3A_2, %select_n3A_22 : i32
    %ne3A_24 = arith.constant 0 : i32
    %ne3A_25 = arith.cmpi ne, %rem3A_23, %ne3A_24 : i32
    %lt3A = arith.constant 0 : i32
    %lt3A_26 = arith.cmpi slt, %rem3A_23, %lt3A : i32
    %lt3A_27 = arith.constant 0 : i32
    %lt3A_28 = arith.cmpi slt, %select_n3A_22, %lt3A_27 : i32
    %ne3A_29 = arith.xori %lt3A_26, %lt3A_28 : i1
    %and3A_30 = arith.andi %ne3A_29, %ne3A_25 : i1
    %add3A_31 = arith.addi %rem3A_23, %select_n3A_22 : i32
    %select_n3A_32 = arith.select %and3A_30, %add3A_31, %rem3A_23 : i32
    "tpu.region"() ({
      %run_scoped3A = tpu.sem_alloc : memref<!tpu.dma_semaphore, #tpu.memory_space<semaphore_mem>>
      %dma_start3A_111 = tpu.memref_slice %arg3[%select_n3A, %select_n3A_32] : memref<4x2048xi32, #tpu.memory_space<hbm>> -> memref<1x256xi32, #tpu.memory_space<hbm>>
      %dma_start3A_112 = tpu.memref_squeeze %dma_start3A_111 : memref<1x256xi32, #tpu.memory_space<hbm>> -> memref<256xi32, #tpu.memory_space<hbm>>
      %dma_start3A_113 = tpu.memref_slice %arg3[%select_n3A, %select_n3A_32] : memref<4x2048xi32, #tpu.memory_space<hbm>> -> memref<1x256xi32, #tpu.memory_space<hbm>>
      %dma_start3A_114 = tpu.memref_squeeze %dma_start3A_113 : memref<1x256xi32, #tpu.memory_space<hbm>> -> memref<256xi32, #tpu.memory_space<hbm>>
      tpu.enqueue_dma source(%dma_start3A_114 : memref<256xi32, #tpu.memory_space<hbm>>) target(%arg5 : memref<256xi32, #tpu.memory_space<vmem>>) target_semaphore(%run_scoped3A : memref<!tpu.dma_semaphore, #tpu.memory_space<semaphore_mem>>)
      %dma_wait3A_115 = tpu.memref_slice %arg3[%select_n3A, %select_n3A_32] : memref<4x2048xi32, #tpu.memory_space<hbm>> -> memref<1x256xi32, #tpu.memory_space<hbm>>
      %dma_wait3A_116 = tpu.memref_squeeze %dma_wait3A_115 : memref<1x256xi32, #tpu.memory_space<hbm>> -> memref<256xi32, #tpu.memory_space<hbm>>
      %dma_wait3A_117 = tpu.memref_slice %arg3[%select_n3A, %select_n3A_32] : memref<4x2048xi32, #tpu.memory_space<hbm>> -> memref<1x256xi32, #tpu.memory_space<hbm>>
      %dma_wait3A_118 = tpu.memref_squeeze %dma_wait3A_117 : memref<1x256xi32, #tpu.memory_space<hbm>> -> memref<256xi32, #tpu.memory_space<hbm>>
      tpu.wait_dma2 semaphore(%run_scoped3A : memref<!tpu.dma_semaphore, #tpu.memory_space<semaphore_mem>>) src(%dma_wait3A_118 : memref<256xi32, #tpu.memory_space<hbm>>) dst(%arg5 : memref<256xi32, #tpu.memory_space<vmem>>)
      tpu.yield
    }) : () -> ()
    %dma_start3A = arith.constant 0 : i32
    %dma_start3A_33 = arith.constant 0 : i32
    %dma_start3A_34 = tpu.memref_slice %arg6[%dma_start3A, %dma_start3A_33] : memref<256x128xf32, #tpu.memory_space<vmem>> -> memref<128x128xf32, #tpu.memory_space<vmem>>
    %dma_start3A_35 = arith.constant 0 : i32
    %dma_start3A_36 = tpu.memref_slice %arg5[%dma_start3A_35] : memref<256xi32, #tpu.memory_space<vmem>> -> memref<128xi32, #tpu.memory_space<vmem>>
    %dma_start3A_37 = arith.constant 0 : i32
    %dma_start3A_38 = arith.constant 0 : i32
    %dma_start3A_39 = tpu.memref_slice %arg2[%dma_start3A_37, %dma_start3A_38] : memref<100000x128xf32, #tpu.memory_space<hbm>> -> memref<100000x128xf32, #tpu.memory_space<hbm>>
    tpu.enqueue_indirect_dma source(%dma_start3A_39 : memref<100000x128xf32, #tpu.memory_space<hbm>>) target(%dma_start3A_34 : memref<128x128xf32, #tpu.memory_space<vmem>>) offsets(%dma_start3A_36 : memref<128xi32, #tpu.memory_space<vmem>>) semaphore(%arg7 : memref<!tpu.dma_semaphore, #tpu.memory_space<semaphore_mem>>)
    %dma_start3A_40 = arith.constant 128 : i32
    %dma_start3A_41 = arith.constant 0 : i32
    %dma_start3A_42 = tpu.memref_slice %arg6[%dma_start3A_40, %dma_start3A_41] : memref<256x128xf32, #tpu.memory_space<vmem>> -> memref<128x128xf32, #tpu.memory_space<vmem>>
    %dma_start3A_43 = arith.constant 128 : i32
    %dma_start3A_44 = tpu.memref_slice %arg5[%dma_start3A_43] : memref<256xi32, #tpu.memory_space<vmem>> -> memref<128xi32, #tpu.memory_space<vmem>>
    %dma_start3A_45 = arith.constant 0 : i32
    %dma_start3A_46 = arith.constant 0 : i32
    %dma_start3A_47 = tpu.memref_slice %arg2[%dma_start3A_45, %dma_start3A_46] : memref<100000x128xf32, #tpu.memory_space<hbm>> -> memref<100000x128xf32, #tpu.memory_space<hbm>>
    tpu.enqueue_indirect_dma source(%dma_start3A_47 : memref<100000x128xf32, #tpu.memory_space<hbm>>) target(%dma_start3A_42 : memref<128x128xf32, #tpu.memory_space<vmem>>) offsets(%dma_start3A_44 : memref<128xi32, #tpu.memory_space<vmem>>) semaphore(%arg7 : memref<!tpu.dma_semaphore, #tpu.memory_space<semaphore_mem>>)
    %dma_wait3A = arith.constant 0 : i32
    %dma_wait3A_48 = arith.constant 0 : i32
    %dma_wait3A_49 = tpu.memref_slice %arg6[%dma_wait3A, %dma_wait3A_48] : memref<256x128xf32, #tpu.memory_space<vmem>> -> memref<128x128xf32, #tpu.memory_space<vmem>>
    %dma_wait3A_50 = arith.constant 0 : i32
    %dma_wait3A_51 = tpu.memref_slice %arg5[%dma_wait3A_50] : memref<256xi32, #tpu.memory_space<vmem>> -> memref<128xi32, #tpu.memory_space<vmem>>
    %dma_wait3A_52 = arith.constant 0 : i32
    %dma_wait3A_53 = arith.constant 0 : i32
    %dma_wait3A_54 = tpu.memref_slice %arg2[%dma_wait3A_52, %dma_wait3A_53] : memref<100000x128xf32, #tpu.memory_space<hbm>> -> memref<100000x128xf32, #tpu.memory_space<hbm>>
    tpu.wait_indirect_dma semaphore(%arg7 : memref<!tpu.dma_semaphore, #tpu.memory_space<semaphore_mem>>) src(%dma_wait3A_54 : memref<100000x128xf32, #tpu.memory_space<hbm>>) dst(%dma_wait3A_49 : memref<128x128xf32, #tpu.memory_space<vmem>>)
    %mul3A_55 = arith.constant 256 : i32
    %mul3A_56 = arith.muli %add3A, %mul3A_55 : i32
    %add3A_57 = arith.constant 0 : i32
    %add3A_58 = arith.addi %mul3A_56, %add3A_57 : i32
    %dma_start3A_59 = arith.constant 0 : i32
    %dma_start3A_60 = arith.constant 0 : i32
    %dma_start3A_61 = tpu.memref_slice %arg6[%dma_start3A_59, %dma_start3A_60] : memref<256x128xf32, #tpu.memory_space<vmem>> -> memref<128x128xf32, #tpu.memory_space<vmem>>
    %dma_start3A_62 = arith.constant 0 : i32
    %dma_start3A_63 = tpu.memref_slice %arg4[%add3A_58, %dma_start3A_62] : memref<8192x128xf32, #tpu.memory_space<hbm>> -> memref<128x128xf32, #tpu.memory_space<hbm>>
    %dma_start3A_64 = arith.constant 0 : i32
    %dma_start3A_65 = tpu.memref_slice %arg4[%add3A_58, %dma_start3A_64] : memref<8192x128xf32, #tpu.memory_space<hbm>> -> memref<128x128xf32, #tpu.memory_space<hbm>>
    %dma_start3A_66 = arith.constant 0 : i32
    %dma_start3A_67 = arith.constant 0 : i32
    %dma_start3A_68 = tpu.memref_slice %arg6[%dma_start3A_66, %dma_start3A_67] : memref<256x128xf32, #tpu.memory_space<vmem>> -> memref<128x128xf32, #tpu.memory_space<vmem>>
    tpu.enqueue_dma source(%dma_start3A_68 : memref<128x128xf32, #tpu.memory_space<vmem>>) target(%dma_start3A_65 : memref<128x128xf32, #tpu.memory_space<hbm>>) target_semaphore(%arg8 : memref<!tpu.dma_semaphore, #tpu.memory_space<semaphore_mem>>)
    %dma_wait3A_69 = arith.constant 128 : i32
    %dma_wait3A_70 = arith.constant 0 : i32
    %dma_wait3A_71 = tpu.memref_slice %arg6[%dma_wait3A_69, %dma_wait3A_70] : memref<256x128xf32, #tpu.memory_space<vmem>> -> memref<128x128xf32, #tpu.memory_space<vmem>>
    %dma_wait3A_72 = arith.constant 128 : i32
    %dma_wait3A_73 = tpu.memref_slice %arg5[%dma_wait3A_72] : memref<256xi32, #tpu.memory_space<vmem>> -> memref<128xi32, #tpu.memory_space<vmem>>
    %dma_wait3A_74 = arith.constant 0 : i32
    %dma_wait3A_75 = arith.constant 0 : i32
    %dma_wait3A_76 = tpu.memref_slice %arg2[%dma_wait3A_74, %dma_wait3A_75] : memref<100000x128xf32, #tpu.memory_space<hbm>> -> memref<100000x128xf32, #tpu.memory_space<hbm>>
    tpu.wait_indirect_dma semaphore(%arg7 : memref<!tpu.dma_semaphore, #tpu.memory_space<semaphore_mem>>) src(%dma_wait3A_76 : memref<100000x128xf32, #tpu.memory_space<hbm>>) dst(%dma_wait3A_71 : memref<128x128xf32, #tpu.memory_space<vmem>>)
    %mul3A_77 = arith.constant 256 : i32
    %mul3A_78 = arith.muli %add3A, %mul3A_77 : i32
    %add3A_79 = arith.constant 128 : i32
    %add3A_80 = arith.addi %mul3A_78, %add3A_79 : i32
    %dma_start3A_81 = arith.constant 128 : i32
    %dma_start3A_82 = arith.constant 0 : i32
    %dma_start3A_83 = tpu.memref_slice %arg6[%dma_start3A_81, %dma_start3A_82] : memref<256x128xf32, #tpu.memory_space<vmem>> -> memref<128x128xf32, #tpu.memory_space<vmem>>
    %dma_start3A_84 = arith.constant 0 : i32
    %dma_start3A_85 = tpu.memref_slice %arg4[%add3A_80, %dma_start3A_84] : memref<8192x128xf32, #tpu.memory_space<hbm>> -> memref<128x128xf32, #tpu.memory_space<hbm>>
    %dma_start3A_86 = arith.constant 0 : i32
    %dma_start3A_87 = tpu.memref_slice %arg4[%add3A_80, %dma_start3A_86] : memref<8192x128xf32, #tpu.memory_space<hbm>> -> memref<128x128xf32, #tpu.memory_space<hbm>>
    %dma_start3A_88 = arith.constant 128 : i32
    %dma_start3A_89 = arith.constant 0 : i32
    %dma_start3A_90 = tpu.memref_slice %arg6[%dma_start3A_88, %dma_start3A_89] : memref<256x128xf32, #tpu.memory_space<vmem>> -> memref<128x128xf32, #tpu.memory_space<vmem>>
    tpu.enqueue_dma source(%dma_start3A_90 : memref<128x128xf32, #tpu.memory_space<vmem>>) target(%dma_start3A_87 : memref<128x128xf32, #tpu.memory_space<hbm>>) target_semaphore(%arg8 : memref<!tpu.dma_semaphore, #tpu.memory_space<semaphore_mem>>)
    %dma_wait3A_91 = arith.constant 0 : i32
    %dma_wait3A_92 = arith.constant 0 : i32
    %dma_wait3A_93 = tpu.memref_slice %arg6[%dma_wait3A_91, %dma_wait3A_92] : memref<256x128xf32, #tpu.memory_space<vmem>> -> memref<128x128xf32, #tpu.memory_space<vmem>>
    %dma_wait3A_94 = arith.constant 0 : i32
    %dma_wait3A_95 = tpu.memref_slice %arg4[%add3A_58, %dma_wait3A_94] : memref<8192x128xf32, #tpu.memory_space<hbm>> -> memref<128x128xf32, #tpu.memory_space<hbm>>
    %dma_wait3A_96 = arith.constant 0 : i32
    %dma_wait3A_97 = tpu.memref_slice %arg4[%add3A_58, %dma_wait3A_96] : memref<8192x128xf32, #tpu.memory_space<hbm>> -> memref<128x128xf32, #tpu.memory_space<hbm>>
    %dma_wait3A_98 = arith.constant 0 : i32
    %dma_wait3A_99 = arith.constant 0 : i32
    %dma_wait3A_100 = tpu.memref_slice %arg6[%dma_wait3A_98, %dma_wait3A_99] : memref<256x128xf32, #tpu.memory_space<vmem>> -> memref<128x128xf32, #tpu.memory_space<vmem>>
    tpu.wait_dma2 semaphore(%arg8 : memref<!tpu.dma_semaphore, #tpu.memory_space<semaphore_mem>>) src(%dma_wait3A_100 : memref<128x128xf32, #tpu.memory_space<vmem>>) dst(%dma_wait3A_97 : memref<128x128xf32, #tpu.memory_space<hbm>>)
    %dma_wait3A_101 = arith.constant 128 : i32
    %dma_wait3A_102 = arith.constant 0 : i32
    %dma_wait3A_103 = tpu.memref_slice %arg6[%dma_wait3A_101, %dma_wait3A_102] : memref<256x128xf32, #tpu.memory_space<vmem>> -> memref<128x128xf32, #tpu.memory_space<vmem>>
    %dma_wait3A_104 = arith.constant 0 : i32
    %dma_wait3A_105 = tpu.memref_slice %arg4[%add3A_80, %dma_wait3A_104] : memref<8192x128xf32, #tpu.memory_space<hbm>> -> memref<128x128xf32, #tpu.memory_space<hbm>>
    %dma_wait3A_106 = arith.constant 0 : i32
    %dma_wait3A_107 = tpu.memref_slice %arg4[%add3A_80, %dma_wait3A_106] : memref<8192x128xf32, #tpu.memory_space<hbm>> -> memref<128x128xf32, #tpu.memory_space<hbm>>
    %dma_wait3A_108 = arith.constant 128 : i32
    %dma_wait3A_109 = arith.constant 0 : i32
    %dma_wait3A_110 = tpu.memref_slice %arg6[%dma_wait3A_108, %dma_wait3A_109] : memref<256x128xf32, #tpu.memory_space<vmem>> -> memref<128x128xf32, #tpu.memory_space<vmem>>
    tpu.wait_dma2 semaphore(%arg8 : memref<!tpu.dma_semaphore, #tpu.memory_space<semaphore_mem>>) src(%dma_wait3A_110 : memref<128x128xf32, #tpu.memory_space<vmem>>) dst(%dma_wait3A_107 : memref<128x128xf32, #tpu.memory_space<hbm>>)
    return
  }
}

module attributes {stable_mosaic.version = 14 : i64} {
  func.func @_dense_body(%arg0: i32, %arg1: i32, %arg2: memref<2048x128xf32, #tpu.memory_space<vmem>>, %arg3: memref<2048x128xf32, #tpu.memory_space<vmem>>, %arg4: memref<2x128xf32, #tpu.memory_space<vmem>>, %arg5: memref<1x128xf32, #tpu.memory_space<vmem>>, %arg6: memref<1x128xf32, #tpu.memory_space<vmem>>, %arg7: memref<128x1024xf32, #tpu.memory_space<vmem>>, %arg8: memref<1x1024xf32, #tpu.memory_space<vmem>>, %arg9: memref<2048x1024xf32, #tpu.memory_space<vmem>>) attributes {dimension_semantics = [#tpu.dimension_semantics<parallel>, #tpu.dimension_semantics<parallel>], iteration_bounds = array<i64: 1, 4>, scalar_prefetch = 0 : i64, scratch_operands = 0 : i64, tpu.core_type = #tpu.core_type<tc>, window_params = [{transform_indices = @transform_0, window_bounds = array<i64: 2048, 128>}, {transform_indices = @transform_1, window_bounds = array<i64: 2048, 128>}, {pipeline_mode = #tpu.pipeline_mode<synchronous>, transform_indices = @transform_2, window_bounds = array<i64: 2, 128>}, {pipeline_mode = #tpu.pipeline_mode<synchronous>, transform_indices = @transform_3, window_bounds = array<i64: 1, 128>}, {pipeline_mode = #tpu.pipeline_mode<synchronous>, transform_indices = @transform_4, window_bounds = array<i64: 1, 128>}, {pipeline_mode = #tpu.pipeline_mode<synchronous>, transform_indices = @transform_5, window_bounds = array<i64: 128, 1024>}, {pipeline_mode = #tpu.pipeline_mode<synchronous>, transform_indices = @transform_6, window_bounds = array<i64: 1, 1024>}, {transform_indices = @transform_7, window_bounds = array<i64: 2048, 1024>}]} {
    %get3A = arith.constant 0 : index
    %get3A_0 = arith.constant 0 : index
    %get3A_1 = vector.load %arg2[%get3A, %get3A_0] : memref<2048x128xf32, #tpu.memory_space<vmem>>, vector<2048x128xf32>
    %get3A_2 = arith.constant 0 : index
    %get3A_3 = arith.constant 0 : index
    %get3A_4 = vector.load %arg3[%get3A_2, %get3A_3] : memref<2048x128xf32, #tpu.memory_space<vmem>>, vector<2048x128xf32>
    %add3A = arith.addf %get3A_1, %get3A_4 : vector<2048x128xf32>
    %get3A_5 = arith.constant 0 : index
    %get3A_6 = arith.constant 0 : index
    %get3A_7 = vector.load %arg4[%get3A_5, %get3A_6] : memref<2x128xf32, #tpu.memory_space<vmem>>, vector<1x128xf32>
    %add3A_8 = vector.broadcast %get3A_7 : vector<1x128xf32> to vector<2048x128xf32>
    %add3A_9 = arith.addf %add3A, %add3A_8 : vector<2048x128xf32>
    %reduce_sum3A = arith.constant dense<0.000000e+00> : vector<2048xf32>
    %reduce_sum3A_10 = vector.multi_reduction <add>, %add3A_9, %reduce_sum3A [1] : vector<2048x128xf32> to vector<2048xf32>
    %broadcast_in_dim3A = vector.shape_cast %reduce_sum3A_10 : vector<2048xf32> to vector<2048x1xf32>
    %div3A = arith.constant 1.280000e+02 : f32
    %div3A_11 = vector.broadcast %div3A : f32 to vector<2048x1xf32>
    %div3A_12 = arith.divf %broadcast_in_dim3A, %div3A_11 : vector<2048x1xf32>
    %sub3A = vector.broadcast %div3A_12 : vector<2048x1xf32> to vector<2048x128xf32>
    %sub3A_13 = arith.subf %add3A_9, %sub3A : vector<2048x128xf32>
    %mul3A = arith.mulf %sub3A_13, %sub3A_13 : vector<2048x128xf32>
    %reduce_sum3A_14 = arith.constant dense<0.000000e+00> : vector<2048xf32>
    %reduce_sum3A_15 = vector.multi_reduction <add>, %mul3A, %reduce_sum3A_14 [1] : vector<2048x128xf32> to vector<2048xf32>
    %broadcast_in_dim3A_16 = vector.shape_cast %reduce_sum3A_15 : vector<2048xf32> to vector<2048x1xf32>
    %div3A_17 = arith.constant 1.280000e+02 : f32
    %div3A_18 = vector.broadcast %div3A_17 : f32 to vector<2048x1xf32>
    %div3A_19 = arith.divf %broadcast_in_dim3A_16, %div3A_18 : vector<2048x1xf32>
    %add3A_20 = arith.constant 9.99999996E-13 : f32
    %add3A_21 = vector.broadcast %add3A_20 : f32 to vector<2048x1xf32>
    %add3A_22 = arith.addf %div3A_19, %add3A_21 : vector<2048x1xf32>
    %rsqrt3A = math.rsqrt %add3A_22 : vector<2048x1xf32>
    %mul3A_23 = vector.broadcast %rsqrt3A : vector<2048x1xf32> to vector<2048x128xf32>
    %mul3A_24 = arith.mulf %sub3A_13, %mul3A_23 : vector<2048x128xf32>
    %get3A_25 = arith.constant 0 : index
    %get3A_26 = arith.constant 0 : index
    %get3A_27 = vector.load %arg5[%get3A_25, %get3A_26] : memref<1x128xf32, #tpu.memory_space<vmem>>, vector<1x128xf32>
    %mul3A_28 = vector.broadcast %get3A_27 : vector<1x128xf32> to vector<2048x128xf32>
    %mul3A_29 = arith.mulf %mul3A_24, %mul3A_28 : vector<2048x128xf32>
    %get3A_30 = arith.constant 0 : index
    %get3A_31 = arith.constant 0 : index
    %get3A_32 = vector.load %arg6[%get3A_30, %get3A_31] : memref<1x128xf32, #tpu.memory_space<vmem>>, vector<1x128xf32>
    %add3A_33 = vector.broadcast %get3A_32 : vector<1x128xf32> to vector<2048x128xf32>
    %add3A_34 = arith.addf %mul3A_29, %add3A_33 : vector<2048x128xf32>
    %get3A_35 = arith.constant 0 : index
    %get3A_36 = arith.constant 0 : index
    %get3A_37 = vector.load %arg7[%get3A_35, %get3A_36] : memref<128x1024xf32, #tpu.memory_space<vmem>>, vector<128x1024xf32>
    %dot_general3A = arith.constant dense<0.000000e+00> : vector<2048x1024xf32>
    %dot_general3A_38 = tpu.matmul %add3A_34, %get3A_37, %dot_general3A {dimension_numbers = #tpu.dot_dimension_numbers<[1], [0], [0], [1], [0, 0, 1, 1], [], []>, transpose_lhs_hint = false} : vector<2048x128xf32>, vector<128x1024xf32>, vector<2048x1024xf32> -> vector<2048x1024xf32>
    %get3A_39 = arith.constant 0 : index
    %get3A_40 = arith.constant 0 : index
    %get3A_41 = vector.load %arg8[%get3A_39, %get3A_40] : memref<1x1024xf32, #tpu.memory_space<vmem>>, vector<1x1024xf32>
    %add3A_42 = vector.broadcast %get3A_41 : vector<1x1024xf32> to vector<2048x1024xf32>
    %add3A_43 = arith.addf %dot_general3A_38, %add3A_42 : vector<2048x1024xf32>
    %swap3A = arith.constant 0 : index
    %swap3A_44 = arith.constant 0 : index
    %swap3A_45 = vector.load %arg9[%swap3A, %swap3A_44] : memref<2048x1024xf32, #tpu.memory_space<vmem>>, vector<2048x1024xf32>
    tpu.vector_store %arg9[%swap3A, %swap3A_44], %add3A_43 {strides = array<i32>} : memref<2048x1024xf32, #tpu.memory_space<vmem>>, vector<2048x1024xf32>,
    return
  }
  func.func @transform_0(%arg0: i32, %arg1: i32) -> (i32, i32) {
    %mul3A = arith.constant 1 : i32
    %mul3A_0 = arith.muli %arg1, %mul3A : i32
    %add3A = arith.addi %mul3A_0, %arg0 : i32
    %c0_i32 = arith.constant 0 : i32
    %c0_i32_1 = arith.constant 0 : i32
    return %add3A, %c0_i32 : i32, i32
  }
  func.func @transform_1(%arg0: i32, %arg1: i32) -> (i32, i32) {
    %c0_i32 = arith.constant 0 : i32
    %c0_i32_0 = arith.constant 0 : i32
    return %arg0, %c0_i32 : i32, i32
  }
  func.func @transform_2(%arg0: i32, %arg1: i32) -> (i32, i32) {
    %c0_i32 = arith.constant 0 : i32
    %c0_i32_0 = arith.constant 0 : i32
    %c0_i32_1 = arith.constant 0 : i32
    return %c0_i32, %c0_i32_0 : i32, i32
  }
  func.func @transform_3(%arg0: i32, %arg1: i32) -> (i32, i32) {
    %c0_i32 = arith.constant 0 : i32
    %c0_i32_0 = arith.constant 0 : i32
    %c0_i32_1 = arith.constant 0 : i32
    return %c0_i32, %c0_i32_0 : i32, i32
  }
  func.func @transform_4(%arg0: i32, %arg1: i32) -> (i32, i32) {
    %c0_i32 = arith.constant 0 : i32
    %c0_i32_0 = arith.constant 0 : i32
    %c0_i32_1 = arith.constant 0 : i32
    return %c0_i32, %c0_i32_0 : i32, i32
  }
  func.func @transform_5(%arg0: i32, %arg1: i32) -> (i32, i32) {
    %c0_i32 = arith.constant 0 : i32
    %c0_i32_0 = arith.constant 0 : i32
    %c0_i32_1 = arith.constant 0 : i32
    return %c0_i32, %c0_i32_0 : i32, i32
  }
  func.func @transform_6(%arg0: i32, %arg1: i32) -> (i32, i32) {
    %c0_i32 = arith.constant 0 : i32
    %c0_i32_0 = arith.constant 0 : i32
    %c0_i32_1 = arith.constant 0 : i32
    return %c0_i32, %c0_i32_0 : i32, i32
  }
  func.func @transform_7(%arg0: i32, %arg1: i32) -> (i32, i32) {
    %mul3A = arith.constant 1 : i32
    %mul3A_0 = arith.muli %arg1, %mul3A : i32
    %add3A = arith.addi %mul3A_0, %arg0 : i32
    %c0_i32 = arith.constant 0 : i32
    %c0_i32_1 = arith.constant 0 : i32
    return %add3A, %c0_i32 : i32, i32
  }
}

</mosaic_0001>

<sc_bundles>
// kernel: kernel.4.cloned.1.call-start
scs
__scs_entry_jumppad:
0x0: {  	(pc) =	sbr.rel $0x88, $3  }
0x1: {  	(tag) =	ssettag $0x0;
	lr =	simm.s32 $0x1  }
0x2: {  	[smem:$0x3F99] =	sst lr;
	_ =	strace $0xD0000000  }
0x3: {  	_ = 	snop  }
0x4: {  	_ = 	snop  }
0x5: {  	_ = 	snop  }
0x6: {  	_ = 	snop  }
0x7: {  	_ = 	snop  }
__scs_overlays_trampoline_lowered:
0x8: {  	[smem:$0x3FA8] =	sst s0  }
0x9: {  	[smem:$0x3FA9] =	sst s1  }
0xa: {  	[smem:$0x3FAA] =	sst s2  }
0xb: {  	[smem:$0x3FAB] =	sst s3  }
0xc: {  	[smem:$0x3FAC] =	sst s4  }
0xd: {  	[smem:$0x3FAD] =	sst s5  }
0xe: {  	[smem:$0x3FAE] =	sst s6  }
0xf: {  	[smem:$0x3FAF] =	sst s7  }
0x10: {  	[smem:$0x3FB0] =	sst s8  }
0x11: {  	[smem:$0x3FB1] =	sst s9;
	s0 =	simm.s32 @!p0 $0x0  }
0x12: {  	s1 =	sld [smem:$0x3F97];
	s0 =	simm.s32 @p0 $0x1  }
0x13: {  	[smem:$0x3FB2] =	sst s0;
	s0 =	simm.s32 @!p1 $0x0  }
0x14: {  	s2 =	sld [smem:$0x3F96];
	s0 =	simm.s32 @p1 $0x1  }
0x15: {  	[smem:$0x3FB3] =	sst s0;
	s0 =	simm.s32 @!p2 $0x0  }
0x16: {  	s3 =	sld [smem:$0x3FDB];
	s0 =	simm.s32 @p2 $0x1  }
0x17: {  	s4 =	simm.s32 $0x1BF5;
	[smem:$0x3FB5] =	sst s0  }
0x18: {  	s0 =	sld [smem:$0x3F98];
	_ =	swait.ge [sflag:s4], $0x0  }
0x19: {  	s7 =	sld [smem:$0x3F99]  }
0x1a: {  	s8 =	sadd.s32 $0xFFFFE003, lr  }
0x1b: {  	s9 =	sadd.s32 $0xFFFFFEF7, lr;
	s5 =	simm.s32 $0xFFFFFFFF;
	p2 =	slt.u32 s8, $0xFFFFF086  }
0x1c: {  	p1 =	slt.u32 s9, $0xF7A;
	s5 =	simm.s32 @!p2 $0x0  }
0x1d: {  	s5 =	simm.s32 @p1 $0x1;
	p0 =	seq.s32 s7, s2  }
0x1e: {  	s7 =	smul.u32 @!p0 $0xF7A, s2;
	p2 =	seq.s32 @!p0 s5, $0x0  }
0x1f: {  	s9 =	smul.u32 $0xF7A, s1;
	s8 =	simm.s32 @!p0 $0x1BF5;
	p2 =	por !p2, p0  }
0x20: {  	[sflag:s8] =	ssyncset.s32 @!p0 $0xFFFFF086;
	s6 =	sadd.s32 @!p0 s3, s7;
	s7 =	simm.s32 @!p0 $0x108  }
0x21: {  	s3 =	sadd.s32 s3, s9;
	s6 =	sadd.s32 @!p0 $0x88, s6;
	s7 =	simm.s32 @p2 $0x1082  }
0x22: {  	[simem:s7], [sflag:s8] =	dma.local @!p0 [hbm:s6], $0xF7A  }
0x23: {  	s9 =	sor.u32 $0xD0000000, s2;
	s6 =	simm.s32 $0x108;
	_ =	swait.ge @!p0 [sflag:s8], $0x0  }
0x24: {  	s3 =	sadd.s32 $0x88, s3;
	s6 =	simm.s32 @!p1 $0x1082;
	[sflag:s4] =	ssyncset.s32 $0xFFFFF086  }
0x25: {  	[simem:s6], [sflag:s4] =	dma.local [hbm:s3], $0xF7A  }
0x26: {  	[smem:$0x3F99] =	sst s1;
	(tag) =	ssettag s2;
	_ =	strace s9  }
0x27: {  	s1 =	sld [smem:$0x3FA9]  }
0x28: {  	s2 =	sld [smem:$0x3FAA]  }
0x29: {  	s4 =	sld [smem:$0x3FAC]  }
0x2a: {  	p0 =	seq.s32 s5, $0x0;
	s5 =	sld [smem:$0x3FAD]  }
0x2b: {  	s6 =	sld [smem:$0x3FAE]  }
0x2c: {  	s7 =	sld [smem:$0x3FAF]  }
0x2d: {  	s3 =	simm.s32 $0x108;
	s8 =	sld [smem:$0x3FB0]  }
0x2e: {  	s3 =	simm.s32 @!p0 $0x1082;
	s9 =	sld [smem:$0x3FB1]  }
0x2f: {  	lr =	sadd.s32 s0, s3;
	s0 =	sld [smem:$0x3FA8]  }
0x30: {  	s3 =	sld [smem:$0x3FAB]  }
0x31: {  	[smem:$0x3FB4] =	sst s10  }
0x32: {  	s10 =	sld [smem:$0x3FB2];
	_ =	sdelay $0x3  }
0x33: {  	p0 =	seq.s32 s10, $0x1;
	s10 =	sld [smem:$0x3FB4];
	_ =	sdelay $0x3  }
0x34: {  	[smem:$0x3FB4] =	sst s10  }
0x35: {  	s10 =	sld [smem:$0x3FB3];
	_ =	sdelay $0x3  }
0x36: {  	p1 =	seq.s32 s10, $0x1;
	s10 =	sld [smem:$0x3FB4];
	_ =	sdelay $0x3  }
0x37: {  	[smem:$0x3FB4] =	sst s10  }
0x38: {  	s10 =	sld [smem:$0x3FB5]  }
0x39: {  	_ = 	snop;
	(pc) =	sbr.ind lr, $3  }
0x3a: {  	_ = 	snop  }
0x3b: {  	_ = 	snop  }
0x3c: {  	p2 =	seq.s32 s10, $0x1;
	s10 =	sld [smem:$0x3FB4]  }
0x3d: {  	_ =	shalt  }
0x3e: {  	_ =	shalt  }
0x3f: {  	_ =	shalt  }
0x40: {  	_ =	shalt  }
0x41: {  	_ =	shalt  }
0x42: {  	_ =	shalt  }
0x43: {  	_ =	shalt  }
0x44: {  	_ =	shalt  }
0x45: {  	_ =	shalt  }
0x46: {  	_ =	shalt  }
0x47: {  	_ =	shalt  }
0x48: {  	_ =	shalt  }
0x49: {  	_ =	shalt  }
0x4a: {  	_ =	shalt  }
0x4b: {  	_ =	shalt  }
0x4c: {  	_ =	shalt  }
0x4d: {  	_ =	shalt  }
0x4e: {  	_ =	shalt  }
0x4f: {  	_ =	shalt  }
0x50: {  	_ =	shalt  }
0x51: {  	_ =	shalt  }
0x52: {  	_ =	shalt  }
0x53: {  	_ =	shalt  }
0x54: {  	_ =	shalt  }
0x55: {  	_ =	shalt  }
0x56: {  	_ =	shalt  }
0x57: {  	_ =	shalt  }
0x58: {  	_ =	shalt  }
0x59: {  	_ =	shalt  }
0x5a: {  	_ =	shalt  }
0x5b: {  	_ =	shalt  }
0x5c: {  	_ =	shalt  }
0x5d: {  	_ =	shalt  }
0x5e: {  	_ =	shalt  }
0x5f: {  	_ =	shalt  }
0x60: {  	_ =	shalt  }
0x61: {  	_ =	shalt  }
0x62: {  	_ =	shalt  }
0x63: {  	_ =	shalt  }
0x64: {  	_ =	shalt  }
0x65: {  	_ =	shalt  }
0x66: {  	_ =	shalt  }
0x67: {  	_ =	shalt  }
0x68: {  	_ =	shalt  }
0x69: {  	_ =	shalt  }
0x6a: {  	_ =	shalt  }
0x6b: {  	_ =	shalt  }
0x6c: {  	_ =	shalt  }
0x6d: {  	_ =	shalt  }
0x6e: {  	_ =	shalt  }
0x6f: {  	_ =	shalt  }
0x70: {  	_ =	shalt  }
0x71: {  	_ =	shalt  }
0x72: {  	_ =	shalt  }
0x73: {  	_ =	shalt  }
0x74: {  	_ =	shalt  }
0x75: {  	_ =	shalt  }
0x76: {  	_ =	shalt  }
0x77: {  	_ =	shalt  }
0x78: {  	_ =	shalt  }
0x79: {  	_ =	shalt  }
0x7a: {  	_ =	shalt  }
0x7b: {  	_ =	shalt  }
0x7c: {  	_ =	shalt  }
0x7d: {  	_ =	shalt  }
0x7e: {  	_ =	shalt  }
0x7f: {  	_ =	shalt  }
0x80: {  	_ =	shalt  }
0x81: {  	_ =	shalt  }
0x82: {  	_ =	shalt  }
0x83: {  	_ =	shalt  }
0x84: {  	_ =	shalt  }
0x85: {  	_ =	shalt  }
0x86: {  	_ =	shalt  }
0x87: {  	_ =	shalt  }
.Lfunc_end0:
.L_simem_size_0:
called_computation_lowered:
.L_overlay_start_0:
0x88: {  	s2 =	sld [smem:$0x3FD9]  }
0x89: {  	s3 =	sld [smem:$0x3FFE];
	_ =	sdelay $0x1  }
0x8a: {  	s1 =	srdreg.scid  }
0x8b: {  	s0 =	sand.u32 $0x1, s1  }
0x8c: {  	s18 =	sshll.u32 s0, $0xA;
	s2 =	sadd.s32 s3, s2  }
0x8d: {  	s2 =	sadd.s32 s2, s18  }
0x8e: {  	[smem:$0x3FC0] =	sst s2  }
0x8f: {  	_ = 	snop  }
0x90: {  	s2 =	sld [smem:$0x3FC9]  }
0x91: {  	s19 =	sld [smem:$0x3FC8]  }
0x92: {  	s4 =	sld [smem:$0x3FD0];
	(tm) =	ssettm $0x1  }
0x93: {  	s5 =	sld [smem:$0x3FFB];
	_ =	sdelay $0x3  }
0x94: {  	_ =	strace s5  }
0x95: {  	s5 =	sld [smem:$0x3FFC];
	_ =	sdelay $0x3  }
0x96: {  	_ =	strace s5  }
0x97: {  	s5 =	sld [smem:$0x3FFD];
	_ =	sdelay $0x3  }
0x98: {  	_ =	strace s5  }
0x99: {  	_ =	strace $0x8FFFFFFF  }
0x9a: {  	s20 =	sld [smem:$0x3FDB];
	_ =	sdelay $0x1  }
0x9b: {  	s6 =	simm.s32 $_scs_section_size  }
0x9c: {  	s7 =	simm.s32 $_size__tile_overlayer_lowered;
	s8 =	simm.s32 $_tile_overlayer_lowered  }
0x9d: {  	s23 =	simm.s32 $0x1BFF;
	s22 =	sshll.u32 s8, $0x1;
	s5 =	sadd.s32 s6, s20  }
0x9e: {  	s9 =	simm.s32 $0x0;
	s21 =	sshll.u32 s7, $0x1;
	s7 =	sadd.s32 s22, s5  }
0x9f: {  	[timem:s9], [sflag:s23] =	dma.local [hbm:s7], s21  }
0xa0: {  	_ =	swait.ge [sflag:s23], s21  }
0xa1: {  	s6 =	ssub.s32 $0x0, s21;
	[sflag:s23] =	ssyncset.done $0x0  }
0xa2: {  	[sflag:s23] =	ssyncadd.s32 s6;
	_ =	sdelay $0x1  }
0xa3: {  	s24 =	simm.s32 $0x1B8B  }
0xa4: {  	_ =	swait.ge [sflag:s24], $0x1  }
0xa5: {  	[sflag:s24] =	ssyncset.done $0x0  }
0xa6: {  	s25 =	simm.s32 $0x1B8E;
	[sflag:s24] =	ssyncadd.s32 $0xFFFFFFFF  }
0xa7: {  	s26 =	simm.s32 $execute0_lowered;
	[smem:$0x3FD2] =	sst s25  }
0xa8: {  	s6 =	sshll.u32 s26, $0x1;
	_ =	strace $0x80000046;
	[dreg:$0x1] =	wrdreg $0xFFFFFFFF  }
0xa9: {  	s28 =	simm.s32 $_size_execute0_lowered;
	s5 =	sadd.s32 s5, s6;
	[dreg:$0x0] =	wrdreg $0x0  }
0xaa: {  	s6 =	sshll.u32 s28, $0x1;
	[dreg:$0x2] =	wrdreg s5  }
0xab: {  	[dreg:$0x3] =	wrdreg s6  }
0xac: {  	[dreg:$0x4] =	wrdreg $0xC0  }
0xad: {  	_ =	task [dreg:s9], $0x5FFFF  }
0xae: {  	[dreg:$0x1] =	wrdreg $0xFFFFFFFF  }
0xaf: {  	[dreg:$0x0] =	wrdreg $0x60  }
0xb0: {  	[dreg:$0x2] =	wrdreg s19  }
0xb1: {  	[dreg:$0x3] =	wrdreg s2  }
0xb2: {  	[dreg:$0x4] =	wrdreg s4  }
0xb3: {  	[dreg:$0x5] =	wrdreg $0x9  }
0xb4: {  	_ =	task.clear_ibuf [dreg:s9], $0x6FFFF;
	_ =	strace $0x90000046  }
0xb5: {  	s29 =	simm.s32 $0x9;
	_ =	strace $0x80000048  }
0xb6: {  	_ =	swait.ge [sflag:s29], $0x1  }
0xb7: {  	[sflag:s29] =	ssyncadd.s32 $0xFFFFFFFF  }
0xb8: {  	_ =	strace $0x90000048  }
0xb9: {  	_ =	sfence  }
0xba: {  	s30 =	sld [smem:$0x0];
	_ =	sdelay $0x2  }
0xbb: {  	s31 =	sshll.u32 s1, $0xD;
	s1 =	sshrl.u32 s1, $0x2  }
0xbc: {  	s3 =	sand.u32 $0x4000, s31;
	s1 =	sadd.s32 s1, s30  }
0xbd: {  	s0 =	sor.u32 s3, s0;
	s1 =	sshll.u32 s1, $0x11  }
0xbe: {  	s0 =	sor.u32 s1, s0  }
0xbf: {  	s0 =	sadd.s32 $0x8F2B, s0  }
0xc0: {  	[sflag:s0] =	ssyncadd.remote.s32 $0x1  }
0xc1: {  	_ =	sfence.sel $0xFFFF  }
0xc2: {  	[dreg:$0x0] =	wrdreg $0xFFFFFFFF;
	(pc) =	sbr.abs _section_cstart, $3  }
0xc3: {  	[dreg:$0x1] =	wrdreg $0xFFFFFFFF  }
0xc4: {  	_ =	task.clear_ibuf [dreg:s9], $0x2FFFF;
	_ =	strace $0x9FFFFFFF  }
0xc5: {  	(tm) =	ssettm $0x7FFFFFFF  }
tec
execute0_lowered:
.L_overlay_start_1:
0x0: {  	(tag) =	ssettag $0x1  }
0x1: {  	s1 =	srdreg.scid  }
0x2: {  	s0 =	stileid.u32;
	s12 =	sand.u32 $0x1, s1  }
0x3: {  	s30 =	sshll.u32 s0, $0x9;
	s3 =	sshll.u32 s12, $0x8  }
0x4: {  	s2 =	rddreg [dreg:$0x0];
	s11 =	sor.u32 s3, s30  }
0x5: {  	s4 =	rddreg [dreg:$0x1];
	s31 =	sshll.u32 s0, $0x5;
	s1 =	sshll.u32 s11, $0x2  }
0x6: {  	s13 =	rddreg [dreg:$0x2];
	s3 =	simm.s32 $0x0;
	s5 =	sor.u32 s31, s1  }
0x7: {  	s6 =	simm.s32 $0x200;
	[smem:$0x7FF] =	sst s3;
	s5 =	sand.u32 $0x1D80, s5  }
0x8: {  	s7 =	simm.s32 $0x3;
	s1 =	rddreg [dreg:$0x3];
	s5 =	sshrl.u32 s5, $0x3  }
0x9: {  	_ =	strace $0x80000047;
	s4 =	sadd.s32 s4, s5;
	s5 =	simm.s32 $0x80  }
0xa: {  	[tilespmem:s3], [sflag:$0x3] =	stream.strided.gather [hbm4b:s4+s5], $0x100, s6, s5, $0x38;
	[tilespmem:$0x8100] =	vst v63  }
0xb: {  	_ =	swait.ge [sflag:s7], $0x100  }
0xc: {  	[sflag:s7] =	ssyncset.done $0x0  }
0xd: {  	s8 =	simm.s32 $0x100;
	[sflag:s7] =	ssyncadd.s32 $0xFFFFFF00  }
0xe: {  	[tilespmem:s8], [sflag:$0x1] =	stream.indirect.gather [hbm4b:s2+s5], $0x80, s3, s5, $0xb8;
	[tilespmem:$0x8100] =	vst v63  }
0xf: {  	s9 =	simm.s32 $0x4100;
	s10 =	simm.s32 $0x1  }
0x10: {  	[tilespmem:s9], [sflag:$0x1] =	stream.indirect.gather [hbm4b:s2+s5], $0x80, s5, s5, $0xb8;
	[tilespmem:$0x8100] =	vst v63  }
0x11: {  	_ =	swait.ge [sflag:s10], $0x4000  }
0x12: {  	s14 =	ssub.s32 $0x2, s12;
	s11 =	sshll.u32 s11, $0x4;
	[sflag:s10] =	ssyncset.done $0x0  }
0x13: {  	s15 =	sshrl.u32 s14, $0x1;
	s11 =	sadd.s32 s13, s11;
	[sflag:s10] =	ssyncadd.s32 $0xFFFFC000  }
0x14: {  	[hbm4b:s11+s3] =	stream.linear.scatter [tilespmem:s8], [sflag:$0x2], $0x4000, $0x38;
	[tilespmem:$0x8100] =	vst v63  }
0x15: {  	s14 =	ssub.s32 s14, s15;
	_ =	swait.ge [sflag:s10], $0x4000  }
0x16: {  	s12 =	simm.s32 $0x2;
	s14 =	smax.u32 s14, $0x1;
	[sflag:s10] =	ssyncset.done $0x0  }
0x17: {  	s13 =	sadd.s32 $0x800, s11;
	p0 =	sne.s32 s14, $0x1;
	[sflag:s10] =	ssyncadd.s32 $0xFFFFC000  }
0x18: {  	[hbm4b:s13+s3] =	stream.linear.scatter [tilespmem:s9], [sflag:$0x2], $0x4000, $0x38;
	[tilespmem:$0x8100] =	vst v63  }
.Ltmp0:
0x19: {  	_ =	swait.ge [sflag:s12], $0x4000;
	(pc) =	sbr.rel @!p0 .LBB2_2-.Ltmp0, $4  }
0x1a: {  	[sflag:s12] =	ssyncset.done $0x0  }
0x1b: {  	[sflag:s12] =	ssyncadd.s32 $0xFFFFC000  }
0x1c: {  	_ =	swait.ge [sflag:s12], $0x4000  }
0x1d: {  	s14 =	sadd.s32 $0xFFFFFFFF, s14;
	[sflag:s12] =	ssyncset.done $0x0  }
.LBB2_1:
0x1e: {  	p0 =	sne.s32 s14, $0x1;
	s14 =	sadd.s32 $0xFFFFFFFF, s14;
	[sflag:s12] =	ssyncadd.s32 $0xFFFFC000  }
0x1f: {  	[tilespmem:s3], [sflag:$0x3] =	stream.strided.gather [hbm4b:s4+s5], $0x100, s6, s5, $0x38;
	[tilespmem:$0x8100] =	vst v63  }
0x20: {  	_ =	swait.ge [sflag:s7], $0x100  }
0x21: {  	[sflag:s7] =	ssyncset.done $0x0  }
0x22: {  	[sflag:s7] =	ssyncadd.s32 $0xFFFFFF00  }
0x23: {  	[tilespmem:s8], [sflag:$0x1] =	stream.indirect.gather [hbm4b:s2+s5], $0x80, s3, s5, $0xb8;
	[tilespmem:$0x8100] =	vst v63  }
0x24: {  	_ = 	snop  }
0x25: {  	[tilespmem:s9], [sflag:$0x1] =	stream.indirect.gather [hbm4b:s2+s5], $0x80, s5, s5, $0xb8;
	[tilespmem:$0x8100] =	vst v63  }
0x26: {  	_ =	swait.ge [sflag:s10], $0x4000  }
0x27: {  	[sflag:s10] =	ssyncset.done $0x0  }
0x28: {  	[sflag:s10] =	ssyncadd.s32 $0xFFFFC000  }
0x29: {  	[hbm4b:s11+s3] =	stream.linear.scatter [tilespmem:s8], [sflag:$0x2], $0x4000, $0x38;
	[tilespmem:$0x8100] =	vst v63  }
0x2a: {  	_ =	swait.ge [sflag:s10], $0x4000  }
0x2b: {  	[sflag:s10] =	ssyncset.done $0x0  }
0x2c: {  	[sflag:s10] =	ssyncadd.s32 $0xFFFFC000  }
0x2d: {  	[hbm4b:s13+s3] =	stream.linear.scatter [tilespmem:s9], [sflag:$0x2], $0x4000, $0x38;
	[tilespmem:$0x8100] =	vst v63  }
.Ltmp1:
0x2e: {  	_ =	swait.ge [sflag:s12], $0x4000;
	(pc) =	sbr.rel @p0 .LBB2_1-.Ltmp1, $4  }
0x2f: {  	[sflag:s12] =	ssyncset.done $0x0  }
0x30: {  	[sflag:s12] =	ssyncadd.s32 $0xFFFFC000  }
0x31: {  	_ =	swait.ge [sflag:s12], $0x4000  }
0x32: {  	[sflag:s12] =	ssyncset.done $0x0  }
.LBB2_2:
0x33: {  	[sflag:s12] =	ssyncadd.s32 $0xFFFFC000  }
0x34: {  	_ =	sfence.sel $0x180000  }
0x35: {  	[bflag:$0x0] =	sbarrier.arrive $0xFFFF  }
0x36: {  	p0 =	sne.s32 s0, $0x0;
	_ =	strace $0x90000047  }
0x37: {  	s0 =	sadd.s32 @!p0 $0x100000, s1;
	[bflag:$0x2] =	sbarrier.arrive $0xFFFF  }
0x38: {  	[sflag:s0] =	ssyncadd.tile.s32 @!p0 $0x1;
	_ =	shalt  }
.Lfunc_end2:
_tile_overlayer_lowered:
.L_overlay_start_2:
0x39: {  	(tag) =	ssettag $0x2  }
0x3a: {  	s0 =	rddreg [dreg:$0x0];
	s2 =	stileid.u32  }
0x3b: {  	s1 =	rddreg [dreg:$0x1];
	p0 =	sne.s32 s2, $0x0  }
0x3c: {  	s3 =	rddreg [dreg:$0x2];
	[bflag:$0x3] =	sbarrier.arrive $0xFFFF;
	s2 =	simm.s32 @!p0 $0x1C03  }
0x3d: {  	[timem:s3], [sflag:s2] =	dma.local @!p0 [hbm:s0], s1  }
0x3e: {  	s0 =	simm.s32 @!p0 $0x3  }
0x3f: {  	_ =	swait.ge @!p0 [sflag:s0], s1  }
0x40: {  	s1 =	ssub.s32 @!p0 $0x0, s1;
	[sflag:s0] =	ssyncset.done @!p0 $0x0  }
0x41: {  	[sflag:s0] =	ssyncadd.s32 @!p0 s1  }
0x42: {  	[bflag:$0x3] =	sbarrier.arrive $0xFFFF  }
0x43: {  	_ =	shalt  }

</sc_bundles>
